<compile_context>
chip_gen: v7x
topology: tpu7x:2x2x1
jax: 0.10.2.dev20260603
libtpu: 0.0.44.dev20260713+nightly
codegen_flags: <defaults>
</compile_context>

<pallas_src>
from math import pi

import jax
import jax.numpy as jnp
from jax.experimental import pallas as pl
from jax.experimental.pallas import tpu as pltpu

SH = 2048
NSEG = 8
HID = 64
EPSK = 1e-06
TWO_PI = 2.0 * pi

RT = 512
ST = 256
NJ = SH // ST
GW = NSEG * ST


def _dot(a, b):
    return jax.lax.dot_general(a, b, (((1,), (0,)), ((), ())),
                               preferred_element_type=jnp.float32)


def _body(xa_ref, xat_ref, xb_ref, w1_ref, b1_ref, w2_ref, ld_ref,
          ph_ref, phi_ref, ldo_ref, hmid_ref):
    j = pl.program_id(1)

    @pl.when(j == 0)
    def _compute_hidden():
        xa = xa_ref[...]
        u = xa * xa
        ca = 1.0 + u * (-0.5 + u * (1.0 / 24.0 + u * (
            -1.0 / 720.0 + u * (1.0 / 40320.0 - u * (1.0 / 3628800.0)))))
        sa = xa * (1.0 + u * (-1.0 / 6.0 + u * (1.0 / 120.0 + u * (
            -1.0 / 5040.0 + u * (1.0 / 362880.0)))))
        acc = _dot(ca, w1_ref[:SH, :]) + _dot(sa, w1_ref[SH:, :])
        hmid_ref[:, :HID] = jnp.tanh(acc + b1_ref[...])
        hmid_ref[:, HID:] = jnp.ones((RT, 1), jnp.float32)

    phi_ref[:, 0, :] = xat_ref[...]

    hx = hmid_ref[...]
    xb = xb_ref[...]

    netw = _dot(hx, w2_ref[j, :, GW:2 * GW])

    def slices(net):
        return [net[:, s * ST:(s + 1) * ST] for s in range(NSEG)]

    ew = [jnp.exp(a) for a in slices(netw)]
    cw = [ew[0]]
    for s in range(1, NSEG):
        cw.append(cw[-1] + ew[s])
    scale_w = TWO_PI / cw[-1]

    thresh = xb * (cw[-1] * (1.0 / TWO_PI))
    cm = [(cw[s] < thresh).astype(jnp.float32) for s in range(NSEG)]
    g = [1.0 - cm[0]]
    for s in range(1, NSEG):
        g.append(cm[s - 1] - cm[s])

    def sel(vals):
        acc = g[0] * vals[0]
        for s in range(1, NSEG):
            acc = acc + g[s] * vals[s]
        return acc

    def sel_cum(cums):
        acc = g[1] * cums[0]
        for s in range(2, NSEG):
            acc = acc + g[s] * cums[s - 1]
        return acc

    wk = scale_w * sel(ew)
    xkm1 = scale_w * sel_cum(cw) - EPSK * g[0]
    rw = 1.0 / wk
    alpha = (xb - xkm1) * rw
    one_m = 1.0 - alpha
    amom = alpha * one_m
    a2 = alpha * alpha

    neth = _dot(hx, w2_ref[j, :, :GW])
    eh = [jnp.exp(a) for a in slices(neth)]
    ch = [eh[0]]
    for s in range(1, NSEG):
        ch.append(ch[-1] + eh[s])
    scale_h = TWO_PI / ch[-1]
    hk = scale_h * sel(eh)
    pkm1 = scale_h * sel_cum(ch)

    netd = _dot(hx, w2_ref[j, :, 2 * GW:])
    dsl = slices(netd)
    dkr = sel(dsl)
    dk1r = sel([dsl[(s + 1) % NSEG] for s in range(NSEG)])

    def softplus(v):
        return jnp.maximum(v, 0.0) + jnp.log1p(jnp.exp(-jnp.abs(v)))

    dk = softplus(dkr)
    dk1 = softplus(dk1r)

    sk = hk * rw
    denom = sk + (dk1 + dk - 2.0 * sk) * amom
    rd = 1.0 / denom
    phi = pkm1 + hk * (sk * a2 + dk * amom) * rd
    phi = phi + ph_ref[0, 0]
    phi = jnp.where(phi >= TWO_PI, phi - TWO_PI, phi)
    srd = sk * rd
    grad = (srd * srd) * (dk1 * a2 + 2.0 * sk * amom + dk * one_m * one_m)

    phi_ref[:, 1, :] = phi
    part = jnp.sum(jnp.log(grad), axis=1, keepdims=True)

    @pl.when(j == 0)
    def _init_ld():
        ldo_ref[...] = ld_ref[...] - part

    @pl.when(j > 0)
    def _acc_ld():
        ldo_ref[...] = ldo_ref[...] - part


@jax.jit
def _run(x_input, log_density, W1, b1, W2, b2, phase_shift):
    B = x_input.shape[0]
    Wt = W2.reshape(HID, NJ, ST, 3 * NSEG).transpose(1, 0, 3, 2) \
           .reshape(NJ, HID, 3 * NSEG * ST)
    b2t = b2.reshape(NJ, ST, 3 * NSEG).transpose(0, 2, 1) \
            .reshape(NJ, 1, 3 * NSEG * ST)
    Wtx = jnp.concatenate([Wt, b2t], axis=1)
    b1r = b1.reshape(1, HID)
    ph = phase_shift.reshape(1, 1)

    grid = (B // RT, NJ)
    phi_out, ld_out = pl.pallas_call(
        _body,
        grid=grid,
        in_specs=[
            pl.BlockSpec((RT, SH), lambda i, j: (i, 0)),
            pl.BlockSpec((RT, ST), lambda i, j: (i, j)),
            pl.BlockSpec((RT, ST), lambda i, j: (i, NJ + j)),
            pl.BlockSpec((2 * SH, HID), lambda i, j: (0, 0)),
            pl.BlockSpec((1, HID), lambda i, j: (0, 0)),
            pl.BlockSpec((NJ, HID + 1, 3 * NSEG * ST),
                         lambda i, j: (0, 0, 0)),
            pl.BlockSpec((RT, 1), lambda i, j: (i, 0)),
            pl.BlockSpec((1, 1), lambda i, j: (0, 0)),
        ],
        out_specs=[
            pl.BlockSpec((RT, 2, ST), lambda i, j: (i, 0, j)),
            pl.BlockSpec((RT, 1), lambda i, j: (i, 0)),
        ],
        out_shape=[
            jax.ShapeDtypeStruct((B, 2, SH), jnp.float32),
            jax.ShapeDtypeStruct((B, 1), jnp.float32),
        ],
        scratch_shapes=[pltpu.VMEM((RT, HID + 1), jnp.float32)],
        compiler_params=pltpu.CompilerParams(
            dimension_semantics=("parallel", "arbitrary")),
    )(x_input, x_input, x_input, W1, b1r, Wtx, log_density, ph)

    return phi_out.reshape(B, 2 * SH), ld_out


def kernel(x_input, log_density, W1, b1, W2, b2, phase_shift, neg):
    return _run(x_input, log_density, W1, b1, W2, b2, phase_shift)

# --- scband reference (transcript-rebuilt; emitter-appended) ---
"""Pipeline reference for scband-circular-spline-layer-72181220376724 (READ-ONLY COPY).

The authoritative reference and input builder live on the scoring server;
editing this copy changes nothing except your own understanding.
"""

import jax, jax.numpy as jnp
import numpy as np
from math import pi

SIZE_HALF = 2048
N_SEG = 8
HIDDEN = 64
B = 4096
EPS = 1e-06


def setup_inputs(seed: int = 0) -> dict:
    key = jax.random.key(seed)
    ks = jax.random.split(key, 8)
    x_input = jax.random.uniform(ks[0], (B, 2 * SIZE_HALF), dtype=jnp.float32)
    log_density = jnp.zeros((B, 1), dtype=jnp.float32)
    W1 = jax.random.normal(ks[1], (2 * SIZE_HALF, HIDDEN), dtype=jnp.float32) * (1.0 / np.sqrt(2 * SIZE_HALF))
    b1 = jnp.zeros((HIDDEN,), dtype=jnp.float32)
    W2 = jax.random.normal(ks[2], (HIDDEN, SIZE_HALF * 3 * N_SEG), dtype=jnp.float32) * (1.0 / np.sqrt(HIDDEN))
    b2 = jnp.zeros((SIZE_HALF * 3 * N_SEG,), dtype=jnp.float32)
    phase_shift = jax.random.uniform(ks[3], (1,), dtype=jnp.float32)
    return {"x_input": x_input, "log_density": log_density, "W1": W1, "b1": b1, "W2": W2, "b2": b2, "phase_shift": phase_shift, "neg": 0}


def reference(x_input, log_density, W1, b1, W2, b2, phase_shift, neg):
    # even_sites=True: a partition is first half, b partition is second half
    x_a = x_input[:, :SIZE_HALF]
    x_b = x_input[:, SIZE_HALF:2 * SIZE_HALF]
    x_for_net = jnp.concatenate([jnp.cos(x_a), jnp.sin(x_a)], axis=1)
    # NeuralNetwork: Linear -> tanh -> Linear (final_activation=None)
    hmid = jnp.tanh(x_for_net @ W1 + b1)
    net_out = (hmid @ W2 + b2).reshape(-1, SIZE_HALF, 3 * N_SEG)
    h_raw = net_out[:, :, :N_SEG]
    w_raw = net_out[:, :, N_SEG:2 * N_SEG]
    d_raw = net_out[:, :, 2 * N_SEG:]
    h_norm = jax.nn.softmax(h_raw, axis=2) * 2 * pi
    w_norm = jax.nn.softmax(w_raw, axis=2) * 2 * pi
    d_norm = jax.nn.softplus(d_raw)
    nB = x_input.shape[0]
    x_knot = jnp.concatenate([jnp.full((nB, SIZE_HALF, 1), -EPS, dtype=x_input.dtype), jnp.cumsum(w_norm, axis=2)], axis=2)
    phi_knot = jnp.concatenate([jnp.zeros((nB, SIZE_HALF, 1), dtype=x_input.dtype), jnp.cumsum(h_norm, axis=2)], axis=2)
    # torch.searchsorted(right=False) == count of knots strictly less than x_b, then -1
    k_ind = jnp.sum(x_knot < x_b[:, :, None], axis=2, keepdims=True) - 1
    k_ind = jnp.clip(k_ind, 0, N_SEG - 1)
    w_k = jnp.take_along_axis(w_norm, k_ind, axis=2)
    h_k = jnp.take_along_axis(h_norm, k_ind, axis=2)
    s_k = h_k / w_k
    d_k = jnp.take_along_axis(d_norm, k_ind, axis=2)
    d_kp1 = jnp.take_along_axis(d_norm, (k_ind + 1) % N_SEG, axis=2)
    x_km1 = jnp.take_along_axis(x_knot, k_ind, axis=2)
    phi_km1 = jnp.take_along_axis(phi_knot, k_ind, axis=2)
    alpha = (x_b[:, :, None] - x_km1) / w_k
    denom = s_k + (d_kp1 + d_k - 2 * s_k) * alpha * (1 - alpha)
    phi_b = (phi_km1 + h_k * (s_k * alpha ** 2 + d_k * alpha * (1 - alpha)) / denom)[:, :, 0]
    phi_b = (phi_b + phase_shift) % (2 * pi)
    grad = s_k ** 2 * (d_kp1 * alpha ** 2 + 2 * s_k * alpha * (1 - alpha) + d_k * (1 - alpha) ** 2) / denom ** 2
    phi_out = jnp.concatenate([x_a, phi_b], axis=1)
    log_density_out = log_density - jnp.log(grad).sum(axis=1)
    return (phi_out, log_density_out)

if __name__ == "__main__":
    import jax
    _d = setup_inputs()
    print(jax.jit(kernel)(*tuple(_d.values())))

</pallas_src>

<mosaic_0001>
module attributes {stable_mosaic.version = 14 : i64} {
  func.func @_body(%arg0: i32, %arg1: i32, %arg2: memref<512x2048xf32, #tpu.memory_space<vmem>>, %arg3: memref<512x256xf32, #tpu.memory_space<vmem>>, %arg4: memref<512x256xf32, #tpu.memory_space<vmem>>, %arg5: memref<4096x64xf32, #tpu.memory_space<vmem>>, %arg6: memref<1x64xf32, #tpu.memory_space<vmem>>, %arg7: memref<8x65x6144xf32, #tpu.memory_space<vmem>>, %arg8: memref<512x1xf32, #tpu.memory_space<vmem>>, %arg9: memref<1x1xf32, #tpu.memory_space<vmem>>, %arg10: memref<512x2x256xf32, #tpu.memory_space<vmem>>, %arg11: memref<512x1xf32, #tpu.memory_space<vmem>>, %arg12: memref<512x65xf32, #tpu.memory_space<vmem>>) attributes {dimension_semantics = [#tpu.dimension_semantics<parallel>, #tpu.dimension_semantics<arbitrary>], iteration_bounds = array<i64: 8, 8>, scalar_prefetch = 0 : i64, scratch_operands = 1 : i64, tpu.core_type = #tpu.core_type<tc>, window_params = [{transform_indices = @transform_0, window_bounds = array<i64: 512, 2048>}, {transform_indices = @transform_1, window_bounds = array<i64: 512, 256>}, {transform_indices = @transform_2, window_bounds = array<i64: 512, 256>}, {pipeline_mode = #tpu.pipeline_mode<synchronous>, transform_indices = @transform_3, window_bounds = array<i64: 4096, 64>}, {pipeline_mode = #tpu.pipeline_mode<synchronous>, transform_indices = @transform_4, window_bounds = array<i64: 1, 64>}, {pipeline_mode = #tpu.pipeline_mode<synchronous>, transform_indices = @transform_5, window_bounds = array<i64: 8, 65, 6144>}, {transform_indices = @transform_6, window_bounds = array<i64: 512, 1>}, {pipeline_mode = #tpu.pipeline_mode<synchronous>, transform_indices = @transform_7, window_bounds = array<i64: 1, 1>}, {transform_indices = @transform_8, window_bounds = array<i64: 512, 2, 256>}, {transform_indices = @transform_9, window_bounds = array<i64: 512, 1>}]} {
    %eq3A = arith.constant 0 : i32
    %eq3A_0 = arith.cmpi eq, %arg1, %eq3A : i32
    %convert_element_type3A = arith.extui %eq3A_0 : i1 to i32
    %cond3A = arith.constant 0 : i32
    %cond3A_1 = arith.cmpi ne, %convert_element_type3A, %cond3A : i32
    scf.if %cond3A_1 {
      %get3A_302 = arith.constant 0 : index
      %get3A_303 = arith.constant 0 : index
      %get3A_304 = vector.load %arg2[%get3A_302, %get3A_303] : memref<512x2048xf32, #tpu.memory_space<vmem>>, vector<512x2048xf32>
      %mul3A_305 = arith.mulf %get3A_304, %get3A_304 : vector<512x2048xf32>
      %mul3A_306 = arith.constant 2.755732E-7 : f32
      %mul3A_307 = vector.broadcast %mul3A_306 : f32 to vector<512x2048xf32>
      %mul3A_308 = arith.mulf %mul3A_305, %mul3A_307 : vector<512x2048xf32>
      %sub3A_309 = arith.constant 2.48015876E-5 : f32
      %sub3A_310 = vector.broadcast %sub3A_309 : f32 to vector<512x2048xf32>
      %sub3A_311 = arith.subf %sub3A_310, %mul3A_308 : vector<512x2048xf32>
      %mul3A_312 = arith.mulf %mul3A_305, %sub3A_311 : vector<512x2048xf32>
      %add3A_313 = arith.constant -0.00138888892 : f32
      %add3A_314 = vector.broadcast %add3A_313 : f32 to vector<512x2048xf32>
      %add3A_315 = arith.addf %add3A_314, %mul3A_312 : vector<512x2048xf32>
      %mul3A_316 = arith.mulf %mul3A_305, %add3A_315 : vector<512x2048xf32>
      %add3A_317 = arith.constant 0.0416666679 : f32
      %add3A_318 = vector.broadcast %add3A_317 : f32 to vector<512x2048xf32>
      %add3A_319 = arith.addf %add3A_318, %mul3A_316 : vector<512x2048xf32>
      %mul3A_320 = arith.mulf %mul3A_305, %add3A_319 : vector<512x2048xf32>
      %add3A_321 = arith.constant -5.000000e-01 : f32
      %add3A_322 = vector.broadcast %add3A_321 : f32 to vector<512x2048xf32>
      %add3A_323 = arith.addf %add3A_322, %mul3A_320 : vector<512x2048xf32>
      %mul3A_324 = arith.mulf %mul3A_305, %add3A_323 : vector<512x2048xf32>
      %add3A_325 = arith.constant 1.000000e+00 : f32
      %add3A_326 = vector.broadcast %add3A_325 : f32 to vector<512x2048xf32>
      %add3A_327 = arith.addf %add3A_326, %mul3A_324 : vector<512x2048xf32>
      %mul3A_328 = arith.constant 2.75573188E-6 : f32
      %mul3A_329 = vector.broadcast %mul3A_328 : f32 to vector<512x2048xf32>
      %mul3A_330 = arith.mulf %mul3A_305, %mul3A_329 : vector<512x2048xf32>
      %add3A_331 = arith.constant -1.98412701E-4 : f32
      %add3A_332 = vector.broadcast %add3A_331 : f32 to vector<512x2048xf32>
      %add3A_333 = arith.addf %add3A_332, %mul3A_330 : vector<512x2048xf32>
      %mul3A_334 = arith.mulf %mul3A_305, %add3A_333 : vector<512x2048xf32>
      %add3A_335 = arith.constant 0.00833333377 : f32
      %add3A_336 = vector.broadcast %add3A_335 : f32 to vector<512x2048xf32>
      %add3A_337 = arith.addf %add3A_336, %mul3A_334 : vector<512x2048xf32>
      %mul3A_338 = arith.mulf %mul3A_305, %add3A_337 : vector<512x2048xf32>
      %add3A_339 = arith.constant -0.166666672 : f32
      %add3A_340 = vector.broadcast %add3A_339 : f32 to vector<512x2048xf32>
      %add3A_341 = arith.addf %add3A_340, %mul3A_338 : vector<512x2048xf32>
      %mul3A_342 = arith.mulf %mul3A_305, %add3A_341 : vector<512x2048xf32>
      %add3A_343 = arith.constant 1.000000e+00 : f32
      %add3A_344 = vector.broadcast %add3A_343 : f32 to vector<512x2048xf32>
      %add3A_345 = arith.addf %add3A_344, %mul3A_342 : vector<512x2048xf32>
      %mul3A_346 = arith.mulf %get3A_304, %add3A_345 : vector<512x2048xf32>
      %get3A_347 = arith.constant 0 : index
      %get3A_348 = arith.constant 0 : index
      %get3A_349 = vector.load %arg5[%get3A_347, %get3A_348] : memref<4096x64xf32, #tpu.memory_space<vmem>>, vector<2048x64xf32>
      %dot_general3A_350 = arith.constant dense<0.000000e+00> : vector<512x64xf32>
      %dot_general3A_351 = tpu.matmul %add3A_327, %get3A_349, %dot_general3A_350 {dimension_numbers = #tpu.dot_dimension_numbers<[1], [0], [0], [1], [0, 0, 1, 1], [], []>, transpose_lhs_hint = false} : vector<512x2048xf32>, vector<2048x64xf32>, vector<512x64xf32> -> vector<512x64xf32>
      %get3A_352 = arith.constant 2048 : index
      %get3A_353 = arith.constant 0 : index
      %get3A_354 = vector.load %arg5[%get3A_352, %get3A_353] : memref<4096x64xf32, #tpu.memory_space<vmem>>, vector<2048x64xf32>
      %dot_general3A_355 = arith.constant dense<0.000000e+00> : vector<512x64xf32>
      %dot_general3A_356 = tpu.matmul %mul3A_346, %get3A_354, %dot_general3A_355 {dimension_numbers = #tpu.dot_dimension_numbers<[1], [0], [0], [1], [0, 0, 1, 1], [], []>, transpose_lhs_hint = false} : vector<512x2048xf32>, vector<2048x64xf32>, vector<512x64xf32> -> vector<512x64xf32>
      %add3A_357 = arith.addf %dot_general3A_351, %dot_general3A_356 : vector<512x64xf32>
      %get3A_358 = arith.constant 0 : index
      %get3A_359 = arith.constant 0 : index
      %get3A_360 = vector.load %arg6[%get3A_358, %get3A_359] : memref<1x64xf32, #tpu.memory_space<vmem>>, vector<1x64xf32>
      %add3A_361 = vector.broadcast %get3A_360 : vector<1x64xf32> to vector<512x64xf32>
      %add3A_362 = arith.addf %add3A_357, %add3A_361 : vector<512x64xf32>
      %tanh3A = math.tanh %add3A_362 : vector<512x64xf32>
      %swap3A_363 = arith.constant 0 : index
      %swap3A_364 = arith.constant 0 : index
      %swap3A_365 = vector.load %arg12[%swap3A_363, %swap3A_364] : memref<512x65xf32, #tpu.memory_space<vmem>>, vector<512x64xf32>
      tpu.vector_store %arg12[%swap3A_363, %swap3A_364], %tanh3A {strides = array<i32>} : memref<512x65xf32, #tpu.memory_space<vmem>>, vector<512x64xf32>,
      %broadcast_in_dim3A_366 = arith.constant 1.000000e+00 : f32
      %broadcast_in_dim3A_367 = vector.broadcast %broadcast_in_dim3A_366 : f32 to vector<512x1xf32>
      %swap3A_368 = arith.constant 0 : index
      %swap3A_369 = arith.constant 64 : index
      %swap3A_370 = vector.load %arg12[%swap3A_368, %swap3A_369] : memref<512x65xf32, #tpu.memory_space<vmem>>, vector<512x1xf32>
      tpu.vector_store %arg12[%swap3A_368, %swap3A_369], %broadcast_in_dim3A_367 {strides = array<i32>} : memref<512x65xf32, #tpu.memory_space<vmem>>, vector<512x1xf32>,
    } else {
    }
    %get3A = arith.constant 0 : index
    %get3A_2 = arith.constant 0 : index
    %get3A_3 = vector.load %arg3[%get3A, %get3A_2] : memref<512x256xf32, #tpu.memory_space<vmem>>, vector<512x256xf32>
    %swap3A = arith.constant 0 : index
    %swap3A_4 = arith.constant 0 : index
    %swap3A_5 = arith.constant 0 : index
    %swap3A_6 = vector.load %arg10[%swap3A, %swap3A_4, %swap3A_5] : memref<512x2x256xf32, #tpu.memory_space<vmem>>, vector<512x1x256xf32>
    %swap3A_7 = vector.shape_cast %swap3A_6 : vector<512x1x256xf32> to vector<512x256xf32>
    %swap3A_8 = vector.shape_cast %get3A_3 : vector<512x256xf32> to vector<512x1x256xf32>
    tpu.vector_store %arg10[%swap3A, %swap3A_4, %swap3A_5], %swap3A_8 {strides = array<i32>} : memref<512x2x256xf32, #tpu.memory_space<vmem>>, vector<512x1x256xf32>,
    %get3A_9 = arith.constant 0 : index
    %get3A_10 = arith.constant 0 : index
    %get3A_11 = vector.load %arg12[%get3A_9, %get3A_10] : memref<512x65xf32, #tpu.memory_space<vmem>>, vector<512x65xf32>
    %get3A_12 = arith.constant 0 : index
    %get3A_13 = arith.constant 0 : index
    %get3A_14 = vector.load %arg4[%get3A_12, %get3A_13] : memref<512x256xf32, #tpu.memory_space<vmem>>, vector<512x256xf32>
    %get3A_15 = arith.index_cast %arg1 : i32 to index
    %get3A_16 = arith.constant 0 : index
    %get3A_17 = arith.constant 2048 : index
    %get3A_18 = vector.load %arg7[%get3A_15, %get3A_16, %get3A_17] : memref<8x65x6144xf32, #tpu.memory_space<vmem>>, vector<1x65x2048xf32>
    %get3A_19 = vector.shape_cast %get3A_18 : vector<1x65x2048xf32> to vector<65x2048xf32>
    %dot_general3A = arith.constant dense<0.000000e+00> : vector<512x2048xf32>
    %dot_general3A_20 = tpu.matmul %get3A_11, %get3A_19, %dot_general3A {dimension_numbers = #tpu.dot_dimension_numbers<[1], [0], [0], [1], [0, 0, 1, 1], [], []>, transpose_lhs_hint = false} : vector<512x65xf32>, vector<65x2048xf32>, vector<512x2048xf32> -> vector<512x2048xf32>
    %slice3A = vector.extract_strided_slice %dot_general3A_20 {offsets = [0, 0], sizes = [512, 256], strides = [1, 1]} : vector<512x2048xf32> to vector<512x256xf32>
    %slice3A_21 = vector.extract_strided_slice %dot_general3A_20 {offsets = [0, 256], sizes = [512, 256], strides = [1, 1]} : vector<512x2048xf32> to vector<512x256xf32>
    %slice3A_22 = vector.extract_strided_slice %dot_general3A_20 {offsets = [0, 512], sizes = [512, 256], strides = [1, 1]} : vector<512x2048xf32> to vector<512x256xf32>
    %slice3A_23 = vector.extract_strided_slice %dot_general3A_20 {offsets = [0, 768], sizes = [512, 256], strides = [1, 1]} : vector<512x2048xf32> to vector<512x256xf32>
    %slice3A_24 = vector.extract_strided_slice %dot_general3A_20 {offsets = [0, 1024], sizes = [512, 256], strides = [1, 1]} : vector<512x2048xf32> to vector<512x256xf32>
    %slice3A_25 = vector.extract_strided_slice %dot_general3A_20 {offsets = [0, 1280], sizes = [512, 256], strides = [1, 1]} : vector<512x2048xf32> to vector<512x256xf32>
    %slice3A_26 = vector.extract_strided_slice %dot_general3A_20 {offsets = [0, 1536], sizes = [512, 256], strides = [1, 1]} : vector<512x2048xf32> to vector<512x256xf32>
    %slice3A_27 = vector.extract_strided_slice %dot_general3A_20 {offsets = [0, 1792], sizes = [512, 256], strides = [1, 1]} : vector<512x2048xf32> to vector<512x256xf32>
    %exp3A = math.exp %slice3A : vector<512x256xf32>
    %exp3A_28 = math.exp %slice3A_21 : vector<512x256xf32>
    %exp3A_29 = math.exp %slice3A_22 : vector<512x256xf32>
    %exp3A_30 = math.exp %slice3A_23 : vector<512x256xf32>
    %exp3A_31 = math.exp %slice3A_24 : vector<512x256xf32>
    %exp3A_32 = math.exp %slice3A_25 : vector<512x256xf32>
    %exp3A_33 = math.exp %slice3A_26 : vector<512x256xf32>
    %exp3A_34 = math.exp %slice3A_27 : vector<512x256xf32>
    %add3A = arith.addf %exp3A, %exp3A_28 : vector<512x256xf32>
    %add3A_35 = arith.addf %add3A, %exp3A_29 : vector<512x256xf32>
    %add3A_36 = arith.addf %add3A_35, %exp3A_30 : vector<512x256xf32>
    %add3A_37 = arith.addf %add3A_36, %exp3A_31 : vector<512x256xf32>
    %add3A_38 = arith.addf %add3A_37, %exp3A_32 : vector<512x256xf32>
    %add3A_39 = arith.addf %add3A_38, %exp3A_33 : vector<512x256xf32>
    %add3A_40 = arith.addf %add3A_39, %exp3A_34 : vector<512x256xf32>
    %div3A = arith.constant 6.28318548 : f32
    %div3A_41 = vector.broadcast %div3A : f32 to vector<512x256xf32>
    %div3A_42 = arith.divf %div3A_41, %add3A_40 : vector<512x256xf32>
    %mul3A = arith.constant 0.159154937 : f32
    %mul3A_43 = vector.broadcast %mul3A : f32 to vector<512x256xf32>
    %mul3A_44 = arith.mulf %add3A_40, %mul3A_43 : vector<512x256xf32>
    %mul3A_45 = arith.mulf %get3A_14, %mul3A_44 : vector<512x256xf32>
    %lt3A = arith.cmpf olt, %exp3A, %mul3A_45 : vector<512x256xf32>
    %convert_element_type3A_46 = arith.extui %lt3A : vector<512x256xi1> to vector<512x256xi32>
    %convert_element_type3A_47 = arith.sitofp %convert_element_type3A_46 : vector<512x256xi32> to vector<512x256xf32>
    %lt3A_48 = arith.cmpf olt, %add3A, %mul3A_45 : vector<512x256xf32>
    %convert_element_type3A_49 = arith.extui %lt3A_48 : vector<512x256xi1> to vector<512x256xi32>
    %convert_element_type3A_50 = arith.sitofp %convert_element_type3A_49 : vector<512x256xi32> to vector<512x256xf32>
    %lt3A_51 = arith.cmpf olt, %add3A_35, %mul3A_45 : vector<512x256xf32>
    %convert_element_type3A_52 = arith.extui %lt3A_51 : vector<512x256xi1> to vector<512x256xi32>
    %convert_element_type3A_53 = arith.sitofp %convert_element_type3A_52 : vector<512x256xi32> to vector<512x256xf32>
    %lt3A_54 = arith.cmpf olt, %add3A_36, %mul3A_45 : vector<512x256xf32>
    %convert_element_type3A_55 = arith.extui %lt3A_54 : vector<512x256xi1> to vector<512x256xi32>
    %convert_element_type3A_56 = arith.sitofp %convert_element_type3A_55 : vector<512x256xi32> to vector<512x256xf32>
    %lt3A_57 = arith.cmpf olt, %add3A_37, %mul3A_45 : vector<512x256xf32>
    %convert_element_type3A_58 = arith.extui %lt3A_57 : vector<512x256xi1> to vector<512x256xi32>
    %convert_element_type3A_59 = arith.sitofp %convert_element_type3A_58 : vector<512x256xi32> to vector<512x256xf32>
    %lt3A_60 = arith.cmpf olt, %add3A_38, %mul3A_45 : vector<512x256xf32>
    %convert_element_type3A_61 = arith.extui %lt3A_60 : vector<512x256xi1> to vector<512x256xi32>
    %convert_element_type3A_62 = arith.sitofp %convert_element_type3A_61 : vector<512x256xi32> to vector<512x256xf32>
    %lt3A_63 = arith.cmpf olt, %add3A_39, %mul3A_45 : vector<512x256xf32>
    %convert_element_type3A_64 = arith.extui %lt3A_63 : vector<512x256xi1> to vector<512x256xi32>
    %convert_element_type3A_65 = arith.sitofp %convert_element_type3A_64 : vector<512x256xi32> to vector<512x256xf32>
    %lt3A_66 = arith.cmpf olt, %add3A_40, %mul3A_45 : vector<512x256xf32>
    %convert_element_type3A_67 = arith.extui %lt3A_66 : vector<512x256xi1> to vector<512x256xi32>
    %convert_element_type3A_68 = arith.sitofp %convert_element_type3A_67 : vector<512x256xi32> to vector<512x256xf32>
    %sub3A = arith.constant 1.000000e+00 : f32
    %sub3A_69 = vector.broadcast %sub3A : f32 to vector<512x256xf32>
    %sub3A_70 = arith.subf %sub3A_69, %convert_element_type3A_47 : vector<512x256xf32>
    %sub3A_71 = arith.subf %convert_element_type3A_47, %convert_element_type3A_50 : vector<512x256xf32>
    %sub3A_72 = arith.subf %convert_element_type3A_50, %convert_element_type3A_53 : vector<512x256xf32>
    %sub3A_73 = arith.subf %convert_element_type3A_53, %convert_element_type3A_56 : vector<512x256xf32>
    %sub3A_74 = arith.subf %convert_element_type3A_56, %convert_element_type3A_59 : vector<512x256xf32>
    %sub3A_75 = arith.subf %convert_element_type3A_59, %convert_element_type3A_62 : vector<512x256xf32>
    %sub3A_76 = arith.subf %convert_element_type3A_62, %convert_element_type3A_65 : vector<512x256xf32>
    %sub3A_77 = arith.subf %convert_element_type3A_65, %convert_element_type3A_68 : vector<512x256xf32>
    %mul3A_78 = arith.mulf %sub3A_70, %exp3A : vector<512x256xf32>
    %mul3A_79 = arith.mulf %sub3A_71, %exp3A_28 : vector<512x256xf32>
    %add3A_80 = arith.addf %mul3A_78, %mul3A_79 : vector<512x256xf32>
    %mul3A_81 = arith.mulf %sub3A_72, %exp3A_29 : vector<512x256xf32>
    %add3A_82 = arith.addf %add3A_80, %mul3A_81 : vector<512x256xf32>
    %mul3A_83 = arith.mulf %sub3A_73, %exp3A_30 : vector<512x256xf32>
    %add3A_84 = arith.addf %add3A_82, %mul3A_83 : vector<512x256xf32>
    %mul3A_85 = arith.mulf %sub3A_74, %exp3A_31 : vector<512x256xf32>
    %add3A_86 = arith.addf %add3A_84, %mul3A_85 : vector<512x256xf32>
    %mul3A_87 = arith.mulf %sub3A_75, %exp3A_32 : vector<512x256xf32>
    %add3A_88 = arith.addf %add3A_86, %mul3A_87 : vector<512x256xf32>
    %mul3A_89 = arith.mulf %sub3A_76, %exp3A_33 : vector<512x256xf32>
    %add3A_90 = arith.addf %add3A_88, %mul3A_89 : vector<512x256xf32>
    %mul3A_91 = arith.mulf %sub3A_77, %exp3A_34 : vector<512x256xf32>
    %add3A_92 = arith.addf %add3A_90, %mul3A_91 : vector<512x256xf32>
    %mul3A_93 = arith.mulf %div3A_42, %add3A_92 : vector<512x256xf32>
    %mul3A_94 = arith.mulf %sub3A_71, %exp3A : vector<512x256xf32>
    %mul3A_95 = arith.mulf %sub3A_72, %add3A : vector<512x256xf32>
    %add3A_96 = arith.addf %mul3A_94, %mul3A_95 : vector<512x256xf32>
    %mul3A_97 = arith.mulf %sub3A_73, %add3A_35 : vector<512x256xf32>
    %add3A_98 = arith.addf %add3A_96, %mul3A_97 : vector<512x256xf32>
    %mul3A_99 = arith.mulf %sub3A_74, %add3A_36 : vector<512x256xf32>
    %add3A_100 = arith.addf %add3A_98, %mul3A_99 : vector<512x256xf32>
    %mul3A_101 = arith.mulf %sub3A_75, %add3A_37 : vector<512x256xf32>
    %add3A_102 = arith.addf %add3A_100, %mul3A_101 : vector<512x256xf32>
    %mul3A_103 = arith.mulf %sub3A_76, %add3A_38 : vector<512x256xf32>
    %add3A_104 = arith.addf %add3A_102, %mul3A_103 : vector<512x256xf32>
    %mul3A_105 = arith.mulf %sub3A_77, %add3A_39 : vector<512x256xf32>
    %add3A_106 = arith.addf %add3A_104, %mul3A_105 : vector<512x256xf32>
    %mul3A_107 = arith.mulf %div3A_42, %add3A_106 : vector<512x256xf32>
    %mul3A_108 = arith.constant 9.99999997E-7 : f32
    %mul3A_109 = vector.broadcast %mul3A_108 : f32 to vector<512x256xf32>
    %mul3A_110 = arith.mulf %mul3A_109, %sub3A_70 : vector<512x256xf32>
    %sub3A_111 = arith.subf %mul3A_107, %mul3A_110 : vector<512x256xf32>
    %div3A_112 = arith.constant 1.000000e+00 : f32
    %div3A_113 = vector.broadcast %div3A_112 : f32 to vector<512x256xf32>
    %div3A_114 = arith.divf %div3A_113, %mul3A_93 : vector<512x256xf32>
    %sub3A_115 = arith.subf %get3A_14, %sub3A_111 : vector<512x256xf32>
    %mul3A_116 = arith.mulf %sub3A_115, %div3A_114 : vector<512x256xf32>
    %sub3A_117 = arith.constant 1.000000e+00 : f32
    %sub3A_118 = vector.broadcast %sub3A_117 : f32 to vector<512x256xf32>
    %sub3A_119 = arith.subf %sub3A_118, %mul3A_116 : vector<512x256xf32>
    %mul3A_120 = arith.mulf %mul3A_116, %sub3A_119 : vector<512x256xf32>
    %mul3A_121 = arith.mulf %mul3A_116, %mul3A_116 : vector<512x256xf32>
    %get3A_122 = arith.index_cast %arg1 : i32 to index
    %get3A_123 = arith.constant 0 : index
    %get3A_124 = arith.constant 0 : index
    %get3A_125 = vector.load %arg7[%get3A_122, %get3A_123, %get3A_124] : memref<8x65x6144xf32, #tpu.memory_space<vmem>>, vector<1x65x2048xf32>
    %get3A_126 = vector.shape_cast %get3A_125 : vector<1x65x2048xf32> to vector<65x2048xf32>
    %dot_general3A_127 = arith.constant dense<0.000000e+00> : vector<512x2048xf32>
    %dot_general3A_128 = tpu.matmul %get3A_11, %get3A_126, %dot_general3A_127 {dimension_numbers = #tpu.dot_dimension_numbers<[1], [0], [0], [1], [0, 0, 1, 1], [], []>, transpose_lhs_hint = false} : vector<512x65xf32>, vector<65x2048xf32>, vector<512x2048xf32> -> vector<512x2048xf32>
    %slice3A_129 = vector.extract_strided_slice %dot_general3A_128 {offsets = [0, 0], sizes = [512, 256], strides = [1, 1]} : vector<512x2048xf32> to vector<512x256xf32>
    %slice3A_130 = vector.extract_strided_slice %dot_general3A_128 {offsets = [0, 256], sizes = [512, 256], strides = [1, 1]} : vector<512x2048xf32> to vector<512x256xf32>
    %slice3A_131 = vector.extract_strided_slice %dot_general3A_128 {offsets = [0, 512], sizes = [512, 256], strides = [1, 1]} : vector<512x2048xf32> to vector<512x256xf32>
    %slice3A_132 = vector.extract_strided_slice %dot_general3A_128 {offsets = [0, 768], sizes = [512, 256], strides = [1, 1]} : vector<512x2048xf32> to vector<512x256xf32>
    %slice3A_133 = vector.extract_strided_slice %dot_general3A_128 {offsets = [0, 1024], sizes = [512, 256], strides = [1, 1]} : vector<512x2048xf32> to vector<512x256xf32>
    %slice3A_134 = vector.extract_strided_slice %dot_general3A_128 {offsets = [0, 1280], sizes = [512, 256], strides = [1, 1]} : vector<512x2048xf32> to vector<512x256xf32>
    %slice3A_135 = vector.extract_strided_slice %dot_general3A_128 {offsets = [0, 1536], sizes = [512, 256], strides = [1, 1]} : vector<512x2048xf32> to vector<512x256xf32>
    %slice3A_136 = vector.extract_strided_slice %dot_general3A_128 {offsets = [0, 1792], sizes = [512, 256], strides = [1, 1]} : vector<512x2048xf32> to vector<512x256xf32>
    %exp3A_137 = math.exp %slice3A_129 : vector<512x256xf32>
    %exp3A_138 = math.exp %slice3A_130 : vector<512x256xf32>
    %exp3A_139 = math.exp %slice3A_131 : vector<512x256xf32>
    %exp3A_140 = math.exp %slice3A_132 : vector<512x256xf32>
    %exp3A_141 = math.exp %slice3A_133 : vector<512x256xf32>
    %exp3A_142 = math.exp %slice3A_134 : vector<512x256xf32>
    %exp3A_143 = math.exp %slice3A_135 : vector<512x256xf32>
    %exp3A_144 = math.exp %slice3A_136 : vector<512x256xf32>
    %add3A_145 = arith.addf %exp3A_137, %exp3A_138 : vector<512x256xf32>
    %add3A_146 = arith.addf %add3A_145, %exp3A_139 : vector<512x256xf32>
    %add3A_147 = arith.addf %add3A_146, %exp3A_140 : vector<512x256xf32>
    %add3A_148 = arith.addf %add3A_147, %exp3A_141 : vector<512x256xf32>
    %add3A_149 = arith.addf %add3A_148, %exp3A_142 : vector<512x256xf32>
    %add3A_150 = arith.addf %add3A_149, %exp3A_143 : vector<512x256xf32>
    %add3A_151 = arith.addf %add3A_150, %exp3A_144 : vector<512x256xf32>
    %div3A_152 = arith.constant 6.28318548 : f32
    %div3A_153 = vector.broadcast %div3A_152 : f32 to vector<512x256xf32>
    %div3A_154 = arith.divf %div3A_153, %add3A_151 : vector<512x256xf32>
    %mul3A_155 = arith.mulf %sub3A_70, %exp3A_137 : vector<512x256xf32>
    %mul3A_156 = arith.mulf %sub3A_71, %exp3A_138 : vector<512x256xf32>
    %add3A_157 = arith.addf %mul3A_155, %mul3A_156 : vector<512x256xf32>
    %mul3A_158 = arith.mulf %sub3A_72, %exp3A_139 : vector<512x256xf32>
    %add3A_159 = arith.addf %add3A_157, %mul3A_158 : vector<512x256xf32>
    %mul3A_160 = arith.mulf %sub3A_73, %exp3A_140 : vector<512x256xf32>
    %add3A_161 = arith.addf %add3A_159, %mul3A_160 : vector<512x256xf32>
    %mul3A_162 = arith.mulf %sub3A_74, %exp3A_141 : vector<512x256xf32>
    %add3A_163 = arith.addf %add3A_161, %mul3A_162 : vector<512x256xf32>
    %mul3A_164 = arith.mulf %sub3A_75, %exp3A_142 : vector<512x256xf32>
    %add3A_165 = arith.addf %add3A_163, %mul3A_164 : vector<512x256xf32>
    %mul3A_166 = arith.mulf %sub3A_76, %exp3A_143 : vector<512x256xf32>
    %add3A_167 = arith.addf %add3A_165, %mul3A_166 : vector<512x256xf32>
    %mul3A_168 = arith.mulf %sub3A_77, %exp3A_144 : vector<512x256xf32>
    %add3A_169 = arith.addf %add3A_167, %mul3A_168 : vector<512x256xf32>
    %mul3A_170 = arith.mulf %div3A_154, %add3A_169 : vector<512x256xf32>
    %mul3A_171 = arith.mulf %sub3A_71, %exp3A_137 : vector<512x256xf32>
    %mul3A_172 = arith.mulf %sub3A_72, %add3A_145 : vector<512x256xf32>
    %add3A_173 = arith.addf %mul3A_171, %mul3A_172 : vector<512x256xf32>
    %mul3A_174 = arith.mulf %sub3A_73, %add3A_146 : vector<512x256xf32>
    %add3A_175 = arith.addf %add3A_173, %mul3A_174 : vector<512x256xf32>
    %mul3A_176 = arith.mulf %sub3A_74, %add3A_147 : vector<512x256xf32>
    %add3A_177 = arith.addf %add3A_175, %mul3A_176 : vector<512x256xf32>
    %mul3A_178 = arith.mulf %sub3A_75, %add3A_148 : vector<512x256xf32>
    %add3A_179 = arith.addf %add3A_177, %mul3A_178 : vector<512x256xf32>
    %mul3A_180 = arith.mulf %sub3A_76, %add3A_149 : vector<512x256xf32>
    %add3A_181 = arith.addf %add3A_179, %mul3A_180 : vector<512x256xf32>
    %mul3A_182 = arith.mulf %sub3A_77, %add3A_150 : vector<512x256xf32>
    %add3A_183 = arith.addf %add3A_181, %mul3A_182 : vector<512x256xf32>
    %mul3A_184 = arith.mulf %div3A_154, %add3A_183 : vector<512x256xf32>
    %get3A_185 = arith.index_cast %arg1 : i32 to index
    %get3A_186 = arith.constant 0 : index
    %get3A_187 = arith.constant 4096 : index
    %get3A_188 = vector.load %arg7[%get3A_185, %get3A_186, %get3A_187] : memref<8x65x6144xf32, #tpu.memory_space<vmem>>, vector<1x65x2048xf32>
    %get3A_189 = vector.shape_cast %get3A_188 : vector<1x65x2048xf32> to vector<65x2048xf32>
    %dot_general3A_190 = arith.constant dense<0.000000e+00> : vector<512x2048xf32>
    %dot_general3A_191 = tpu.matmul %get3A_11, %get3A_189, %dot_general3A_190 {dimension_numbers = #tpu.dot_dimension_numbers<[1], [0], [0], [1], [0, 0, 1, 1], [], []>, transpose_lhs_hint = false} : vector<512x65xf32>, vector<65x2048xf32>, vector<512x2048xf32> -> vector<512x2048xf32>
    %slice3A_192 = vector.extract_strided_slice %dot_general3A_191 {offsets = [0, 0], sizes = [512, 256], strides = [1, 1]} : vector<512x2048xf32> to vector<512x256xf32>
    %slice3A_193 = vector.extract_strided_slice %dot_general3A_191 {offsets = [0, 256], sizes = [512, 256], strides = [1, 1]} : vector<512x2048xf32> to vector<512x256xf32>
    %slice3A_194 = vector.extract_strided_slice %dot_general3A_191 {offsets = [0, 512], sizes = [512, 256], strides = [1, 1]} : vector<512x2048xf32> to vector<512x256xf32>
    %slice3A_195 = vector.extract_strided_slice %dot_general3A_191 {offsets = [0, 768], sizes = [512, 256], strides = [1, 1]} : vector<512x2048xf32> to vector<512x256xf32>
    %slice3A_196 = vector.extract_strided_slice %dot_general3A_191 {offsets = [0, 1024], sizes = [512, 256], strides = [1, 1]} : vector<512x2048xf32> to vector<512x256xf32>
    %slice3A_197 = vector.extract_strided_slice %dot_general3A_191 {offsets = [0, 1280], sizes = [512, 256], strides = [1, 1]} : vector<512x2048xf32> to vector<512x256xf32>
    %slice3A_198 = vector.extract_strided_slice %dot_general3A_191 {offsets = [0, 1536], sizes = [512, 256], strides = [1, 1]} : vector<512x2048xf32> to vector<512x256xf32>
    %slice3A_199 = vector.extract_strided_slice %dot_general3A_191 {offsets = [0, 1792], sizes = [512, 256], strides = [1, 1]} : vector<512x2048xf32> to vector<512x256xf32>
    %mul3A_200 = arith.mulf %sub3A_70, %slice3A_192 : vector<512x256xf32>
    %mul3A_201 = arith.mulf %sub3A_71, %slice3A_193 : vector<512x256xf32>
    %add3A_202 = arith.addf %mul3A_200, %mul3A_201 : vector<512x256xf32>
    %mul3A_203 = arith.mulf %sub3A_72, %slice3A_194 : vector<512x256xf32>
    %add3A_204 = arith.addf %add3A_202, %mul3A_203 : vector<512x256xf32>
    %mul3A_205 = arith.mulf %sub3A_73, %slice3A_195 : vector<512x256xf32>
    %add3A_206 = arith.addf %add3A_204, %mul3A_205 : vector<512x256xf32>
    %mul3A_207 = arith.mulf %sub3A_74, %slice3A_196 : vector<512x256xf32>
    %add3A_208 = arith.addf %add3A_206, %mul3A_207 : vector<512x256xf32>
    %mul3A_209 = arith.mulf %sub3A_75, %slice3A_197 : vector<512x256xf32>
    %add3A_210 = arith.addf %add3A_208, %mul3A_209 : vector<512x256xf32>
    %mul3A_211 = arith.mulf %sub3A_76, %slice3A_198 : vector<512x256xf32>
    %add3A_212 = arith.addf %add3A_210, %mul3A_211 : vector<512x256xf32>
    %mul3A_213 = arith.mulf %sub3A_77, %slice3A_199 : vector<512x256xf32>
    %add3A_214 = arith.addf %add3A_212, %mul3A_213 : vector<512x256xf32>
    %mul3A_215 = arith.mulf %sub3A_70, %slice3A_193 : vector<512x256xf32>
    %mul3A_216 = arith.mulf %sub3A_71, %slice3A_194 : vector<512x256xf32>
    %add3A_217 = arith.addf %mul3A_215, %mul3A_216 : vector<512x256xf32>
    %mul3A_218 = arith.mulf %sub3A_72, %slice3A_195 : vector<512x256xf32>
    %add3A_219 = arith.addf %add3A_217, %mul3A_218 : vector<512x256xf32>
    %mul3A_220 = arith.mulf %sub3A_73, %slice3A_196 : vector<512x256xf32>
    %add3A_221 = arith.addf %add3A_219, %mul3A_220 : vector<512x256xf32>
    %mul3A_222 = arith.mulf %sub3A_74, %slice3A_197 : vector<512x256xf32>
    %add3A_223 = arith.addf %add3A_221, %mul3A_222 : vector<512x256xf32>
    %mul3A_224 = arith.mulf %sub3A_75, %slice3A_198 : vector<512x256xf32>
    %add3A_225 = arith.addf %add3A_223, %mul3A_224 : vector<512x256xf32>
    %mul3A_226 = arith.mulf %sub3A_76, %slice3A_199 : vector<512x256xf32>
    %add3A_227 = arith.addf %add3A_225, %mul3A_226 : vector<512x256xf32>
    %mul3A_228 = arith.mulf %sub3A_77, %slice3A_192 : vector<512x256xf32>
    %add3A_229 = arith.addf %add3A_227, %mul3A_228 : vector<512x256xf32>
    %max3A = arith.constant 0.000000e+00 : f32
    %max3A_230 = vector.broadcast %max3A : f32 to vector<512x256xf32>
    %max3A_231 = arith.maximumf %add3A_214, %max3A_230 : vector<512x256xf32>
    %abs3A = math.absf %add3A_214 : vector<512x256xf32>
    %neg3A = arith.constant 0.000000e+00 : f32
    %neg3A_232 = vector.broadcast %neg3A : f32 to vector<512x256xf32>
    %neg3A_233 = arith.subf %neg3A_232, %abs3A : vector<512x256xf32>
    %exp3A_234 = math.exp %neg3A_233 : vector<512x256xf32>
    %log1p3A = math.log1p %exp3A_234 : vector<512x256xf32>
    %add3A_235 = arith.addf %max3A_231, %log1p3A : vector<512x256xf32>
    %max3A_236 = arith.constant 0.000000e+00 : f32
    %max3A_237 = vector.broadcast %max3A_236 : f32 to vector<512x256xf32>
    %max3A_238 = arith.maximumf %add3A_229, %max3A_237 : vector<512x256xf32>
    %abs3A_239 = math.absf %add3A_229 : vector<512x256xf32>
    %neg3A_240 = arith.constant 0.000000e+00 : f32
    %neg3A_241 = vector.broadcast %neg3A_240 : f32 to vector<512x256xf32>
    %neg3A_242 = arith.subf %neg3A_241, %abs3A_239 : vector<512x256xf32>
    %exp3A_243 = math.exp %neg3A_242 : vector<512x256xf32>
    %log1p3A_244 = math.log1p %exp3A_243 : vector<512x256xf32>
    %add3A_245 = arith.addf %max3A_238, %log1p3A_244 : vector<512x256xf32>
    %mul3A_246 = arith.mulf %mul3A_170, %div3A_114 : vector<512x256xf32>
    %add3A_247 = arith.addf %add3A_245, %add3A_235 : vector<512x256xf32>
    %mul3A_248 = arith.constant 2.000000e+00 : f32
    %mul3A_249 = vector.broadcast %mul3A_248 : f32 to vector<512x256xf32>
    %mul3A_250 = arith.mulf %mul3A_249, %mul3A_246 : vector<512x256xf32>
    %sub3A_251 = arith.subf %add3A_247, %mul3A_250 : vector<512x256xf32>
    %mul3A_252 = arith.mulf %sub3A_251, %mul3A_120 : vector<512x256xf32>
    %add3A_253 = arith.addf %mul3A_246, %mul3A_252 : vector<512x256xf32>
    %div3A_254 = arith.constant 1.000000e+00 : f32
    %div3A_255 = vector.broadcast %div3A_254 : f32 to vector<512x256xf32>
    %div3A_256 = arith.divf %div3A_255, %add3A_253 : vector<512x256xf32>
    %mul3A_257 = arith.mulf %mul3A_246, %mul3A_121 : vector<512x256xf32>
    %mul3A_258 = arith.mulf %add3A_235, %mul3A_120 : vector<512x256xf32>
    %add3A_259 = arith.addf %mul3A_257, %mul3A_258 : vector<512x256xf32>
    %mul3A_260 = arith.mulf %mul3A_170, %add3A_259 : vector<512x256xf32>
    %mul3A_261 = arith.mulf %mul3A_260, %div3A_256 : vector<512x256xf32>
    %add3A_262 = arith.addf %mul3A_184, %mul3A_261 : vector<512x256xf32>
    %get3A_263 = arith.constant 0 : index
    %get3A_264 = arith.constant 0 : index
    %get3A_265 = vector.load %arg9[%get3A_263, %get3A_264] : memref<1x1xf32, #tpu.memory_space<vmem>>, vector<1x1xf32>
    %get3A_266 = vector.extract %get3A_265[0, 0] : f32 from vector<1x1xf32>
    %add3A_267 = vector.broadcast %get3A_266 : f32 to vector<512x256xf32>
    %add3A_268 = arith.addf %add3A_262, %add3A_267 : vector<512x256xf32>
    %ge3A = arith.constant 6.28318548 : f32
    %ge3A_269 = vector.broadcast %ge3A : f32 to vector<512x256xf32>
    %ge3A_270 = arith.cmpf oge, %add3A_268, %ge3A_269 : vector<512x256xf32>
    %sub3A_271 = arith.constant 6.28318548 : f32
    %sub3A_272 = vector.broadcast %sub3A_271 : f32 to vector<512x256xf32>
    %sub3A_273 = arith.subf %add3A_268, %sub3A_272 : vector<512x256xf32>
    %select_n3A = arith.select %ge3A_270, %sub3A_273, %add3A_268 : vector<512x256xi1>, vector<512x256xf32>
    %mul3A_274 = arith.mulf %mul3A_246, %div3A_256 : vector<512x256xf32>
    %mul3A_275 = arith.mulf %mul3A_274, %mul3A_274 : vector<512x256xf32>
    %mul3A_276 = arith.mulf %add3A_245, %mul3A_121 : vector<512x256xf32>
    %mul3A_277 = arith.constant 2.000000e+00 : f32
    %mul3A_278 = vector.broadcast %mul3A_277 : f32 to vector<512x256xf32>
    %mul3A_279 = arith.mulf %mul3A_278, %mul3A_246 : vector<512x256xf32>
    %mul3A_280 = arith.mulf %mul3A_279, %mul3A_120 : vector<512x256xf32>
    %add3A_281 = arith.addf %mul3A_276, %mul3A_280 : vector<512x256xf32>
    %mul3A_282 = arith.mulf %add3A_235, %sub3A_119 : vector<512x256xf32>
    %mul3A_283 = arith.mulf %mul3A_282, %sub3A_119 : vector<512x256xf32>
    %add3A_284 = arith.addf %add3A_281, %mul3A_283 : vector<512x256xf32>
    %mul3A_285 = arith.mulf %mul3A_275, %add3A_284 : vector<512x256xf32>
    %swap3A_286 = arith.constant 0 : index
    %swap3A_287 = arith.constant 1 : index
    %swap3A_288 = arith.constant 0 : index
    %swap3A_289 = vector.load %arg10[%swap3A_286, %swap3A_287, %swap3A_288] : memref<512x2x256xf32, #tpu.memory_space<vmem>>, vector<512x1x256xf32>
    %swap3A_290 = vector.shape_cast %swap3A_289 : vector<512x1x256xf32> to vector<512x256xf32>
    %swap3A_291 = vector.shape_cast %select_n3A : vector<512x256xf32> to vector<512x1x256xf32>
    tpu.vector_store %arg10[%swap3A_286, %swap3A_287, %swap3A_288], %swap3A_291 {strides = array<i32>} : memref<512x2x256xf32, #tpu.memory_space<vmem>>, vector<512x1x256xf32>,
    %log3A = math.log %mul3A_285 : vector<512x256xf32>
    %reduce_sum3A = arith.constant dense<0.000000e+00> : vector<512xf32>
    %reduce_sum3A_292 = vector.multi_reduction <add>, %log3A, %reduce_sum3A [1] : vector<512x256xf32> to vector<512xf32>
    %broadcast_in_dim3A = vector.shape_cast %reduce_sum3A_292 : vector<512xf32> to vector<512x1xf32>
    %eq3A_293 = arith.constant 0 : i32
    %eq3A_294 = arith.cmpi eq, %arg1, %eq3A_293 : i32
    %convert_element_type3A_295 = arith.extui %eq3A_294 : i1 to i32
    %cond3A_296 = arith.constant 0 : i32
    %cond3A_297 = arith.cmpi ne, %convert_element_type3A_295, %cond3A_296 : i32
    scf.if %cond3A_297 {
      %get3A_302 = arith.constant 0 : index
      %get3A_303 = arith.constant 0 : index
      %get3A_304 = vector.load %arg8[%get3A_302, %get3A_303] : memref<512x1xf32, #tpu.memory_space<vmem>>, vector<512x1xf32>
      %sub3A_305 = arith.subf %get3A_304, %broadcast_in_dim3A : vector<512x1xf32>
      %swap3A_306 = arith.constant 0 : index
      %swap3A_307 = arith.constant 0 : index
      %swap3A_308 = vector.load %arg11[%swap3A_306, %swap3A_307] : memref<512x1xf32, #tpu.memory_space<vmem>>, vector<512x1xf32>
      tpu.vector_store %arg11[%swap3A_306, %swap3A_307], %sub3A_305 {strides = array<i32>} : memref<512x1xf32, #tpu.memory_space<vmem>>, vector<512x1xf32>,
    } else {
    }
    %gt3A = arith.constant 0 : i32
    %gt3A_298 = arith.cmpi sgt, %arg1, %gt3A : i32
    %convert_element_type3A_299 = arith.extui %gt3A_298 : i1 to i32
    %cond3A_300 = arith.constant 0 : i32
    %cond3A_301 = arith.cmpi ne, %convert_element_type3A_299, %cond3A_300 : i32
    scf.if %cond3A_301 {
      %get3A_302 = arith.constant 0 : index
      %get3A_303 = arith.constant 0 : index
      %get3A_304 = vector.load %arg11[%get3A_302, %get3A_303] : memref<512x1xf32, #tpu.memory_space<vmem>>, vector<512x1xf32>
      %sub3A_305 = arith.subf %get3A_304, %broadcast_in_dim3A : vector<512x1xf32>
      %swap3A_306 = arith.constant 0 : index
      %swap3A_307 = arith.constant 0 : index
      %swap3A_308 = vector.load %arg11[%swap3A_306, %swap3A_307] : memref<512x1xf32, #tpu.memory_space<vmem>>, vector<512x1xf32>
      tpu.vector_store %arg11[%swap3A_306, %swap3A_307], %sub3A_305 {strides = array<i32>} : memref<512x1xf32, #tpu.memory_space<vmem>>, vector<512x1xf32>,
    } else {
    }
    return
  }
  func.func @transform_0(%arg0: i32, %arg1: i32) -> (i32, i32) {
    %c0_i32 = arith.constant 0 : i32
    %c0_i32_0 = arith.constant 0 : i32
    return %arg0, %c0_i32 : i32, i32
  }
  func.func @transform_1(%arg0: i32, %arg1: i32) -> (i32, i32) {
    %c0_i32 = arith.constant 0 : i32
    return %arg0, %arg1 : i32, i32
  }
  func.func @transform_2(%arg0: i32, %arg1: i32) -> (i32, i32) {
    %add3A = arith.constant 8 : i32
    %add3A_0 = arith.addi %add3A, %arg1 : i32
    %c0_i32 = arith.constant 0 : i32
    return %arg0, %add3A_0 : i32, i32
  }
  func.func @transform_3(%arg0: i32, %arg1: i32) -> (i32, i32) {
    %c0_i32 = arith.constant 0 : i32
    %c0_i32_0 = arith.constant 0 : i32
    %c0_i32_1 = arith.constant 0 : i32
    return %c0_i32, %c0_i32_0 : i32, i32
  }
  func.func @transform_4(%arg0: i32, %arg1: i32) -> (i32, i32) {
    %c0_i32 = arith.constant 0 : i32
    %c0_i32_0 = arith.constant 0 : i32
    %c0_i32_1 = arith.constant 0 : i32
    return %c0_i32, %c0_i32_0 : i32, i32
  }
  func.func @transform_5(%arg0: i32, %arg1: i32) -> (i32, i32, i32) {
    %c0_i32 = arith.constant 0 : i32
    %c0_i32_0 = arith.constant 0 : i32
    %c0_i32_1 = arith.constant 0 : i32
    %c0_i32_2 = arith.constant 0 : i32
    return %c0_i32, %c0_i32_0, %c0_i32_1 : i32, i32, i32
  }
  func.func @transform_6(%arg0: i32, %arg1: i32) -> (i32, i32) {
    %c0_i32 = arith.constant 0 : i32
    %c0_i32_0 = arith.constant 0 : i32
    return %arg0, %c0_i32 : i32, i32
  }
  func.func @transform_7(%arg0: i32, %arg1: i32) -> (i32, i32) {
    %c0_i32 = arith.constant 0 : i32
    %c0_i32_0 = arith.constant 0 : i32
    %c0_i32_1 = arith.constant 0 : i32
    return %c0_i32, %c0_i32_0 : i32, i32
  }
  func.func @transform_8(%arg0: i32, %arg1: i32) -> (i32, i32, i32) {
    %c0_i32 = arith.constant 0 : i32
    %c0_i32_0 = arith.constant 0 : i32
    return %arg0, %c0_i32, %arg1 : i32, i32, i32
  }
  func.func @transform_9(%arg0: i32, %arg1: i32) -> (i32, i32) {
    %c0_i32 = arith.constant 0 : i32
    %c0_i32_0 = arith.constant 0 : i32
    return %arg0, %c0_i32 : i32, i32
  }
}

</mosaic_0001>

<sc_bundles>
// kernel: sparse-core-data-format-call.cloned.1.call-start
scs
called_computation_lowered:
.L_overlay_start_0:
0x0: {  	s2 =	sld [smem:$0x3FD9]  }
0x1: {  	s3 =	sld [smem:$0x3FFE];
	_ =	sdelay $0x1  }
0x2: {  	s1 =	srdreg.scid  }
0x3: {  	s0 =	sand.u32 $0x1, s1  }
0x4: {  	s15 =	sshll.u32 s0, $0xA;
	s2 =	sadd.s32 s3, s2  }
0x5: {  	s2 =	sadd.s32 s2, s15  }
0x6: {  	[smem:$0x3FC1] =	sst s2  }
0x7: {  	_ = 	snop  }
0x8: {  	s2 =	sld [smem:$0x3FD0];
	_ =	sdelay $0x2  }
0x9: {  	s16 =	simm.s32 $0xA;
	s4 =	simm.s32 $0x10  }
0xa: {  	[smem:s4], [sflag:s16] =	dma.local [hbm:s2], $0x1  }
0xb: {  	_ =	swait.eq [sflag:s16], $0x1  }
0xc: {  	[sflag:s16] =	ssyncset.done $0x0  }
0xd: {  	[sflag:s16] =	ssyncadd.s32 $0xFFFFFFFF  }
0xe: {  	s17 =	sld [smem:$0x10];
	(tm) =	ssettm $0x1  }
0xf: {  	s18 =	sld [smem:$0x3FFB];
	_ =	sdelay $0x3  }
0x10: {  	_ =	strace s18  }
0x11: {  	s3 =	sld [smem:$0x3FFC];
	_ =	sdelay $0x3  }
0x12: {  	_ =	strace s3  }
0x13: {  	s3 =	sld [smem:$0x3FFD];
	_ =	sdelay $0x3  }
0x14: {  	_ =	strace s3  }
0x15: {  	_ =	strace $0x8FFFFFFF  }
0x16: {  	s19 =	sld [smem:$0x3FDB];
	_ =	sdelay $0x1  }
0x17: {  	s20 =	simm.s32 $_scs_section_size  }
0x18: {  	s5 =	simm.s32 $_size__tile_overlayer_lowered;
	s6 =	simm.s32 $_tile_overlayer_lowered  }
0x19: {  	s23 =	simm.s32 $0x1BFF;
	s22 =	sshll.u32 s6, $0x1;
	s3 =	sadd.s32 s20, s19  }
0x1a: {  	s7 =	simm.s32 $0x0;
	s21 =	sshll.u32 s5, $0x1;
	s5 =	sadd.s32 s22, s3  }
0x1b: {  	[timem:s7], [sflag:s23] =	dma.local [hbm:s5], s21  }
0x1c: {  	_ =	swait.ge [sflag:s23], s21  }
0x1d: {  	s4 =	ssub.s32 $0x0, s21;
	[sflag:s23] =	ssyncset.done $0x0  }
0x1e: {  	[sflag:s23] =	ssyncadd.s32 s4;
	_ =	sdelay $0x1  }
0x1f: {  	s24 =	simm.s32 $0x1B8B  }
0x20: {  	_ =	swait.ge [sflag:s24], $0x1  }
0x21: {  	[sflag:s24] =	ssyncset.done $0x0  }
0x22: {  	s26 =	simm.s32 $0x1B8E;
	s25 =	sld [smem:$0x3FFE];
	[sflag:s24] =	ssyncadd.s32 $0xFFFFFFFF  }
0x23: {  	s27 =	simm.s32 $execute0_lowered;
	[smem:$0x3FD2] =	sst s26  }
0x24: {  	s5 =	sshll.u32 s27, $0x1;
	_ =	strace $0x80000046;
	[dreg:$0x1] =	wrdreg $0xFFFFFFFF  }
0x25: {  	s28 =	simm.s32 $_size_execute0_lowered;
	s3 =	sadd.s32 s3, s5;
	[dreg:$0x0] =	wrdreg $0x0  }
0x26: {  	s5 =	sshll.u32 s28, $0x1;
	[dreg:$0x2] =	wrdreg s3  }
0x27: {  	[dreg:$0x3] =	wrdreg s5  }
0x28: {  	[dreg:$0x4] =	wrdreg $0xC0  }
0x29: {  	_ =	task [dreg:s7], $0x5FFFF  }
0x2a: {  	[dreg:$0x1] =	wrdreg $0xFFFFFFFF  }
0x2b: {  	[dreg:$0x0] =	wrdreg $0x60  }
0x2c: {  	[dreg:$0x2] =	wrdreg s25  }
0x2d: {  	[dreg:$0x3] =	wrdreg s17  }
0x2e: {  	[dreg:$0x4] =	wrdreg $0x9  }
0x2f: {  	_ =	task.clear_ibuf [dreg:s7], $0x5FFFF;
	_ =	strace $0x90000046  }
0x30: {  	s29 =	simm.s32 $0x9;
	_ =	strace $0x80000048  }
0x31: {  	_ =	swait.ge [sflag:s29], $0x1  }
0x32: {  	[sflag:s29] =	ssyncadd.s32 $0xFFFFFFFF  }
0x33: {  	_ =	strace $0x90000048  }
0x34: {  	_ =	sfence  }
0x35: {  	s30 =	sld [smem:$0x0];
	_ =	sdelay $0x2  }
0x36: {  	s31 =	sshll.u32 s1, $0xD;
	s1 =	sshrl.u32 s1, $0x2  }
0x37: {  	s3 =	sand.u32 $0x4000, s31;
	s1 =	sadd.s32 s1, s30  }
0x38: {  	s0 =	sor.u32 s3, s0;
	s1 =	sshll.u32 s1, $0x11  }
0x39: {  	s0 =	sor.u32 s1, s0  }
0x3a: {  	s0 =	sadd.s32 $0x8F2B, s0  }
0x3b: {  	[sflag:s0] =	ssyncadd.remote.s32 $0x1  }
0x3c: {  	_ =	sfence.sel $0xFFFF  }
0x3d: {  	[dreg:$0x0] =	wrdreg $0xFFFFFFFF;
	(pc) =	sbr.abs _section_cstart, $3  }
0x3e: {  	[dreg:$0x1] =	wrdreg $0xFFFFFFFF  }
0x3f: {  	_ =	task.clear_ibuf [dreg:s7], $0x2FFFF;
	_ =	strace $0x9FFFFFFF  }
0x40: {  	(tm) =	ssettm $0x7FFFFFFF  }
0x41: {  	_ =	shalt  }
tec
execute0_lowered:
.L_overlay_start_1:
0x0: {  	(tag) =	ssettag $0x1  }
0x1: {  	s4 =	rddreg [dreg:$0x0]  }
0x2: {  	s2 =	rddreg [dreg:$0x1]  }
0x3: {  	s0 =	rddreg [dreg:$0x2];
	_ =	strace $0x80000047  }
0x4: {  	s3 =	srdreg.scid;
	s1 =	stileid.u32;
	s6 =	simm.s32 $0x2  }
0x5: {  	s12 =	simm.s32 $0x0;
	s13 =	simm.s32 $0x0;
	s15 =	simm.s32 $0x0  }
.Ltmp0:
0x6: {  	s14 =	simm.s32 $0x0;
	s8 =	simm.s32 $0x0;
	(pc) =	sbr.rel .LBB1_1-.Ltmp0, $4  }
0x7: {  	s9 =	simm.s32 $0x0;
	s10 =	simm.s32 $0x0;
	s5 =	sshll.u32 s3, $0x4  }
0x8: {  	s7 =	simm.s32 $0x0;
	s3 =	simm.s32 $0x1;
	s5 =	sand.u32 $0x10, s5  }
0x9: {  	s4 =	sadd.s32 $0x800, s4;
	[sflag:s3] =	ssyncpa.u1 $0x0;
	s5 =	sor.u32 s1, s5  }
0xa: {  	[sflag:s6] =	ssyncpa.u1 $0x0;
	s6 =	simm.s32 $0x4000;
	s11 =	smov.u32 s5  }
.LBB1_9:
0xb: {  	s16 =	sadd.s32 $0x400, s8  }
0xc: {  	s12 =	sadd.s32 $0x2, s9;
	s17 =	smov.u32 s9;
	p1 =	sgt.s32 s16, $0x7FF  }
0xd: {  	s17 =	smov.u32 @p1 s12  }
0xe: {  	s18 =	smov.u32 s10;
	s12 =	sadd.s32 $0x8, s10;
	p2 =	sgt.s32 s17, $0x1  }
0xf: {  	s18 =	smov.u32 @p2 s12  }
0x10: {  	s19 =	smov.u32 s11;
	s12 =	sadd.s32 $0x20, s11;
	p3 =	sgt.s32 s18, $0x7  }
0x11: {  	p0 =	slt.u32 s7, $0x2;
	s19 =	smov.u32 @p3 s12  }
0x12: {  	s7 =	sadd.s32 $0x1, s7;
	s16 =	simm.s32 @p1 $0x0;
	p1 =	sgt.s32 s19, $0x1FF  }
0x13: {  	s20 =	simm.s32 @!p0 $0x2;
	s19 =	smov.u32 @p1 s5;
	p1 =	sne.s32 s7, $0x22  }
.Ltmp1:
0x14: {  	_ =	swait.ge @!p0 [sflag:s20], $0x4000;
	(pc) =	sbr.rel @!p1 .LBB1_10-.Ltmp1, $4  }
0x15: {  	s13 =	smov.u32 s9;
	s15 =	smov.u32 s10;
	[sflag:s20] =	ssyncset.done @!p0 $0x0  }
0x16: {  	s14 =	smov.u32 s11;
	s17 =	simm.s32 @p2 $0x0;
	[sflag:s20] =	ssyncadd.s32 @!p0 $0xFFFFC000  }
0x17: {  	s9 =	smov.u32 s17;
	s18 =	simm.s32 @p3 $0x0;
	s12 =	smov.u32 s8  }
0x18: {  	s8 =	smov.u32 s16;
	s10 =	smov.u32 s18;
	s11 =	smov.u32 s19  }
.LBB1_1:
0x19: {  	p0 =	sgt.u32 s7, $0x1F  }
0x1a: {  	s16 =	sxor.u32 @!p0 $0xFFFFFFFF, s7;
	s17 =	sshll.u32 @!p0 s9, $0x7  }
0x1b: {  	s18 =	sand.u32 @!p0 $0x78, s8;
	s19 =	sshll.u32 @!p0 s8, $0x1;
	s20 =	sshrl.u32 @!p0 s8, $0x2  }
0x1c: {  	s17 =	sand.u32 @!p0 $0x80, s17;
	s16 =	sshll.u32 @!p0 s16, $0xE;
	s19 =	sand.u32 @!p0 $0x700, s19  }
0x1d: {  	s20 =	sand.u32 @!p0 $0x100, s20;
	s17 =	sor.u32 @!p0 s17, s18;
	s18 =	sshll.u32 @!p0 s11, $0xC  }
0x1e: {  	s17 =	sor.u32 @!p0 s19, s17;
	s19 =	sshll.u32 @!p0 s10, $0x9;
	s18 =	sadd.s32 @!p0 s4, s18  }
0x1f: {  	s16 =	sand.u32 @!p0 $0x4000, s16;
	s18 =	sadd.s32 @!p0 s19, s18;
	s19 =	sand.u32 @!p0 $0x7, s8  }
0x20: {  	s17 =	sshrl.u32 @!p0 s17, $0x3;
	s18 =	sadd.s32 @!p0 s20, s18;
	s19 =	sshll.u32 @!p0 s19, $0x12  }
0x21: {  	s17 =	sadd.s32 @!p0 s17, s18;
	s18 =	sor.u32 @!p0 $0x800, s19;
	s19 =	simm.s32 @!p0 $0x1000  }
0x22: {  	[tilespmem:s16], [sflag:$0x1] =	stream.strided.gather @!p0 [hbm4b:s17+s18], $0x4000, s19, s18, $0x38;
	[tilespmem:$0x10000] =	vst v63  }
0x23: {  	p0 =	seq.s32 s7, $0x0  }
0x24: {  	p1 =	seq.s32 @!p0 s7, $0x21  }
0x25: {  	p0 =	por p0, p1  }
.Ltmp2:
0x26: {  	_ = 	snop;
	(pc) =	sbr.rel @p0 .LBB1_9-.Ltmp2, $1  }
0x27: {  	_ =	sdelay $0x3  }
0x28: {  	_ =	swait.ge [sflag:s3], $0x4000;
	s16 =	sshll.u32 s7, $0xE  }
0x29: {  	[sflag:s3] =	ssyncset.done $0x0;
	s17 =	sand.u32 $0x4000, s16  }
0x2a: {  	s18 =	simm.s32 $0x0;
	[sflag:s3] =	ssyncadd.s32 $0xFFFFC000;
	s16 =	sor.u32 $0x8000, s17  }
.LBB1_3:
0x2b: {  	s21 =	sshll.u32 s18, $0xB  }
0x2c: {  	s22 =	sshll.u32 s18, $0x7;
	p1 =	por $0x1, $0x1;
	v1 =	vmov s21  }
0x2d: {  	s19 =	sadd.s32 s21, s17;
	s20 =	sadd.s32 s22, s16;
	v0 =	vmov s22;
	s21 =	simm.s32 $0x0  }
.LBB1_4:
0x2e: {  	s22 =	sshll.u32 s21, $0x7  }
0x2f: {  	s25 =	sadd.s32 s22, s19  }
0x30: {  	v2 =	vmov s25  }
0x31: {  	s24 =	sshll.u32 s21, $0xD;
	p0 =	por p1, p1;
	s23 =	simm.s32 $0x0  }
0x32: {  	p1 =	por $0x1, $0x1;
	s21 =	sadd.s32 s24, s16;
	s22 =	sadd.s32 s22, s17;
	v3 =	vmov s24  }
.LBB1_5:
0x33: {  	s23 =	sshll.u32 s23, $0x3  }
0x34: {  	s24 =	sshra.s32 s23, $0x2  }
0x35: {  	v4 =	vld.idx.msk [tilespmem:v2+s24+$0x0 ss:$0x1], $0xffff;
	s24 =	sadd.s32 s24, s22  }
0x36: {  	v5 =	vld.idx.msk [tilespmem:v1+s24+$0x10 ss:$0x1], $0xffff  }
0x37: {  	v6 =	vld.idx.msk [tilespmem:v1+s24+$0x20 ss:$0x1], $0xffff  }
0x38: {  	s23 =	sand.u32 $0x3FFFFFF8, s23;
	v7 =	vld.idx.msk [tilespmem:v1+s24+$0x30 ss:$0x1], $0xffff  }
0x39: {  	s25 =	sadd.s32 s23, s21;
	v8 =	vld.idx.msk [tilespmem:v1+s24+$0x40 ss:$0x1], $0xffff  }
0x3a: {  	s23 =	sadd.s32 s23, s20;
	[tilespmem:v0+s25+$0x0 ss:$0x1] =	vst.idx.msk $0xffff, v4;
	v4 =	vld.idx.msk [tilespmem:v1+s24+$0x50 ss:$0x1], $0xffff  }
0x3b: {  	[tilespmem:v3+s23+$0x10 ss:$0x1] =	vst.idx.msk $0xffff, v5;
	v5 =	vld.idx.msk [tilespmem:v1+s24+$0x60 ss:$0x1], $0xffff  }
0x3c: {  	v49 =	vld.idx.msk [tilespmem:v1+s24+$0x70 ss:$0x1], $0xffff;
	[tilespmem:v3+s23+$0x20 ss:$0x1] =	vst.idx.msk $0xffff, v6  }
0x3d: {  	v50 =	vld.idx.msk [tilespmem:v1+s24+$0x100 ss:$0x1], $0xffff;
	[tilespmem:v3+s23+$0x30 ss:$0x1] =	vst.idx.msk $0xffff, v7  }
0x3e: {  	v51 =	vld.idx.msk [tilespmem:v1+s24+$0x110 ss:$0x1], $0xffff;
	[tilespmem:v3+s23+$0x40 ss:$0x1] =	vst.idx.msk $0xffff, v8  }
0x3f: {  	[tilespmem:v3+s23+$0x50 ss:$0x1] =	vst.idx.msk $0xffff, v4;
	v4 =	vld.idx.msk [tilespmem:v1+s24+$0x120 ss:$0x1], $0xffff  }
0x40: {  	[tilespmem:v3+s23+$0x60 ss:$0x1] =	vst.idx.msk $0xffff, v5;
	v5 =	vld.idx.msk [tilespmem:v1+s24+$0x130 ss:$0x1], $0xffff  }
0x41: {  	v52 =	vld.idx.msk [tilespmem:v1+s24+$0x140 ss:$0x1], $0xffff;
	[tilespmem:v3+s23+$0x70 ss:$0x1] =	vst.idx.msk $0xffff, v49  }
0x42: {  	v53 =	vld.idx.msk [tilespmem:v1+s24+$0x150 ss:$0x1], $0xffff;
	[tilespmem:v0+s25+$0x400 ss:$0x1] =	vst.idx.msk $0xffff, v50  }
0x43: {  	v54 =	vld.idx.msk [tilespmem:v1+s24+$0x160 ss:$0x1], $0xffff;
	[tilespmem:v3+s23+$0x410 ss:$0x1] =	vst.idx.msk $0xffff, v51  }
0x44: {  	[tilespmem:v3+s23+$0x420 ss:$0x1] =	vst.idx.msk $0xffff, v4;
	v4 =	vld.idx.msk [tilespmem:v1+s24+$0x170 ss:$0x1], $0xffff  }
0x45: {  	[tilespmem:v3+s23+$0x430 ss:$0x1] =	vst.idx.msk $0xffff, v5;
	v5 =	vld.idx.msk [tilespmem:v1+s24+$0x200 ss:$0x1], $0xffff  }
0x46: {  	v55 =	vld.idx.msk [tilespmem:v1+s24+$0x210 ss:$0x1], $0xffff;
	[tilespmem:v3+s23+$0x440 ss:$0x1] =	vst.idx.msk $0xffff, v52  }
0x47: {  	v56 =	vld.idx.msk [tilespmem:v1+s24+$0x220 ss:$0x1], $0xffff;
	[tilespmem:v3+s23+$0x450 ss:$0x1] =	vst.idx.msk $0xffff, v53  }
0x48: {  	v57 =	vld.idx.msk [tilespmem:v1+s24+$0x230 ss:$0x1], $0xffff;
	[tilespmem:v3+s23+$0x460 ss:$0x1] =	vst.idx.msk $0xffff, v54  }
0x49: {  	[tilespmem:v3+s23+$0x470 ss:$0x1] =	vst.idx.msk $0xffff, v4;
	v4 =	vld.idx.msk [tilespmem:v1+s24+$0x240 ss:$0x1], $0xffff  }
0x4a: {  	[tilespmem:v0+s25+$0x800 ss:$0x1] =	vst.idx.msk $0xffff, v5;
	v5 =	vld.idx.msk [tilespmem:v1+s24+$0x250 ss:$0x1], $0xffff  }
0x4b: {  	v58 =	vld.idx.msk [tilespmem:v1+s24+$0x260 ss:$0x1], $0xffff;
	[tilespmem:v3+s23+$0x810 ss:$0x1] =	vst.idx.msk $0xffff, v55  }
0x4c: {  	v59 =	vld.idx.msk [tilespmem:v1+s24+$0x270 ss:$0x1], $0xffff;
	[tilespmem:v3+s23+$0x820 ss:$0x1] =	vst.idx.msk $0xffff, v56  }
0x4d: {  	v60 =	vld.idx.msk [tilespmem:v1+s24+$0x300 ss:$0x1], $0xffff;
	[tilespmem:v3+s23+$0x830 ss:$0x1] =	vst.idx.msk $0xffff, v57  }
0x4e: {  	[tilespmem:v3+s23+$0x840 ss:$0x1] =	vst.idx.msk $0xffff, v4;
	v4 =	vld.idx.msk [tilespmem:v1+s24+$0x310 ss:$0x1], $0xffff  }
0x4f: {  	[tilespmem:v3+s23+$0x850 ss:$0x1] =	vst.idx.msk $0xffff, v5;
	v5 =	vld.idx.msk [tilespmem:v1+s24+$0x320 ss:$0x1], $0xffff  }
0x50: {  	v61 =	vld.idx.msk [tilespmem:v1+s24+$0x330 ss:$0x1], $0xffff;
	[tilespmem:v3+s23+$0x860 ss:$0x1] =	vst.idx.msk $0xffff, v58  }
0x51: {  	v62 =	vld.idx.msk [tilespmem:v1+s24+$0x340 ss:$0x1], $0xffff;
	[tilespmem:v3+s23+$0x870 ss:$0x1] =	vst.idx.msk $0xffff, v59  }
0x52: {  	v63 =	vld.idx.msk [tilespmem:v1+s24+$0x350 ss:$0x1], $0xffff;
	[tilespmem:v0+s25+$0xC00 ss:$0x1] =	vst.idx.msk $0xffff, v60  }
0x53: {  	[tilespmem:v3+s23+$0xC10 ss:$0x1] =	vst.idx.msk $0xffff, v4;
	v4 =	vld.idx.msk [tilespmem:v1+s24+$0x360 ss:$0x1], $0xffff  }
0x54: {  	p2 =	por p1, p1;
	[tilespmem:v3+s23+$0xC20 ss:$0x1] =	vst.idx.msk $0xffff, v5;
	v5 =	vld.idx.msk [tilespmem:v1+s24+$0x370 ss:$0x1], $0xffff  }
.Ltmp3:
0x55: {  	[tilespmem:v3+s23+$0xC30 ss:$0x1] =	vst.idx.msk $0xffff, v61;
	(pc) =	sbr.rel @p2 .LBB1_5-.Ltmp3, $4  }
0x56: {  	[tilespmem:v3+s23+$0xC40 ss:$0x1] =	vst.idx.msk $0xffff, v62  }
0x57: {  	[tilespmem:v3+s23+$0xC50 ss:$0x1] =	vst.idx.msk $0xffff, v63  }
0x58: {  	[tilespmem:v3+s23+$0xC60 ss:$0x1] =	vst.idx.msk $0xffff, v4  }
0x59: {  	p1 =	por $0x0, $0x0;
	[tilespmem:v3+s23+$0xC70 ss:$0x1] =	vst.idx.msk $0xffff, v5;
	s23 =	simm.s32 $0x200  }
.Ltmp4:
0x5a: {  	(pc) =	sbr.rel @p0 .LBB1_4-.Ltmp4, $2  }
0x5b: {  	_ =	sdelay $0x2  }
0x5c: {  	s21 =	simm.s32 $0x1;
	p1 =	por $0x0, $0x0  }
0x5d: {  	s18 =	sadd.s32 $0x1, s18  }
0x5e: {  	p0 =	sne.s32 s18, $0x8  }
.Ltmp5:
0x5f: {  	_ = 	snop;
	(pc) =	sbr.rel @p0 .LBB1_3-.Ltmp5, $1  }
0x60: {  	_ =	sdelay $0x3  }
0x61: {  	s15 =	sshll.u32 s15, $0x7;
	s17 =	sand.u32 $0x78, s12  }
0x62: {  	s18 =	sshll.u32 s12, $0x3;
	s14 =	sshll.u32 s14, $0xC;
	s13 =	sshll.u32 s13, $0xB  }
0x63: {  	s29 =	sand.u32 $0x700, s12;
	s15 =	sand.u32 $0x380, s15;
	s18 =	sand.u32 $0x400, s18  }
.Ltmp6:
0x64: {  	s14 =	sadd.s32 s2, s14;
	s15 =	sor.u32 s15, s17;
	(pc) =	sbr.rel .LBB1_9-.Ltmp6, $4  }
0x65: {  	s30 =	sand.u32 $0x7, s12;
	s13 =	sadd.s32 s13, s14;
	s15 =	sor.u32 s18, s15  }
0x66: {  	s12 =	sshll.u32 s30, $0x12;
	s13 =	sadd.s32 s29, s13;
	s31 =	sshrl.u32 s15, $0x3  }
0x67: {  	s12 =	sor.u32 $0x2000, s12;
	s13 =	sadd.s32 s31, s13  }
0x68: {  	[hbm4b:s13+s12] =	stream.strided.scatter [tilespmem:s16], [sflag:$0x2], $0x4000, s6, s12, $0x38;
	[tilespmem:$0x10000] =	vst v63  }
.LBB1_10:
0x69: {  	_ =	sfence.sel $0x180000  }
0x6a: {  	s2 =	simm.s32 $0x1;
	[bflag:$0x0] =	sbarrier.arrive $0xFFFF  }
0x6b: {  	s31 =	simm.s32 $0x2;
	[sflag:s2] =	ssyncpa.u1 $0x1  }
0x6c: {  	[sflag:s31] =	ssyncpa.u1 $0x1  }
0x6d: {  	p0 =	sne.s32 s1, $0x0;
	_ =	strace $0x90000047  }
0x6e: {  	s0 =	sadd.s32 @!p0 $0x100000, s0;
	[bflag:$0x2] =	sbarrier.arrive $0xFFFF  }
0x6f: {  	[sflag:s0] =	ssyncadd.tile.s32 @!p0 $0x1;
	_ =	shalt  }
.Lfunc_end1:
_tile_overlayer_lowered:
.L_overlay_start_2:
0x70: {  	(tag) =	ssettag $0x2  }
0x71: {  	s0 =	rddreg [dreg:$0x0];
	s2 =	stileid.u32  }
0x72: {  	s1 =	rddreg [dreg:$0x1];
	p0 =	sne.s32 s2, $0x0  }
0x73: {  	s3 =	rddreg [dreg:$0x2];
	[bflag:$0x3] =	sbarrier.arrive $0xFFFF;
	s2 =	simm.s32 @!p0 $0x1C01  }
0x74: {  	[timem:s3], [sflag:s2] =	dma.local @!p0 [hbm:s0], s1  }
0x75: {  	s0 =	simm.s32 @!p0 $0x1  }
0x76: {  	_ =	swait.ge @!p0 [sflag:s0], s1  }
0x77: {  	s1 =	ssub.s32 @!p0 $0x0, s1;
	[sflag:s0] =	ssyncset.done @!p0 $0x0  }
0x78: {  	[sflag:s0] =	ssyncadd.s32 @!p0 s1  }
0x79: {  	[bflag:$0x3] =	sbarrier.arrive $0xFFFF  }
0x7a: {  	_ =	shalt  }

</sc_bundles>
